<compile_context>
chip_gen: v7x
topology: tpu7x:2x2x1
jax: 0.10.2.dev20260603
libtpu: 0.0.44.dev20260713+nightly
codegen_flags: <defaults>
</compile_context>

<pallas_src>
import jax
import jax.numpy as jnp
from jax import lax
from jax.experimental import pallas as pl
from jax.experimental.pallas import tpu as pltpu
from jax.experimental.pallas import tpu_sc as plsc

N = 10000
E = 320000
D = 128
G = 64

NC = 2
NS = 16
NW = NC * NS

EB = 128
JP = 40
NP = 2
JW = JP * NP
E_PAD = NW * JW * EB
NZ = 10112
NTRASH = NZ - N
RPS = NZ // NS


def _sc_aggr_body(h_hbm, src_hbm, dst_hbm, zero_hbm, out_hbm,
                  aggr, sidx, didx, rows0, rows1, sem0, sem1, semz):
    c = lax.axis_index("c")
    s = lax.axis_index("s")
    wid = c * NS + s
    row0 = pl.multiple_of(s * RPS, 8)
    zcp = pltpu.async_copy(zero_hbm.at[pl.ds(row0, RPS)],
                           aggr.at[pl.ds(row0, RPS)], semz)
    pltpu.sync_copy(src_hbm.at[wid, 0], sidx)
    pltpu.sync_copy(dst_hbm.at[wid, 0], didx)
    pltpu.sync_copy(h_hbm.at[sidx.at[0]], rows0)
    zcp.wait()
    plsc.subcore_barrier()

    for p in range(NP):

        @pl.loop(0, JP, step=2)
        def _(j):
            s0 = pltpu.async_copy(rows0, aggr.at[didx.at[j]], sem0,
                                  add=True)
            pltpu.sync_copy(h_hbm.at[sidx.at[j + 1]], rows1)
            s1 = pltpu.async_copy(rows1, aggr.at[didx.at[j + 1]], sem1,
                                  add=True)
            s0.wait()
            pltpu.sync_copy(h_hbm.at[sidx.at[j + 2]], rows0)
            s1.wait()

        if p + 1 < NP:
            pltpu.sync_copy(src_hbm.at[wid, p + 1], sidx)
            pltpu.sync_copy(dst_hbm.at[wid, p + 1], didx)

    plsc.subcore_barrier()
    pltpu.sync_copy(aggr.at[pl.ds(row0, RPS)],
                    out_hbm.at[c, pl.ds(row0, RPS)])


@jax.jit
def _sc_aggr(h, src_r, dst_r, zeros):
    mesh = plsc.VectorSubcoreMesh(core_axis_name="c", subcore_axis_name="s")
    return pl.kernel(
        _sc_aggr_body,
        out_type=jax.ShapeDtypeStruct((NC, NZ, D), jnp.float32),
        mesh=mesh,
        scratch_types=[
            pltpu.VMEM_SHARED((NZ, D), jnp.float32),
            pltpu.VMEM((JP + 1, EB), jnp.int32),
            pltpu.VMEM((JP + 1, EB), jnp.int32),
            pltpu.VMEM((EB, D), jnp.float32),
            pltpu.VMEM((EB, D), jnp.float32),
            pltpu.SemaphoreType.DMA,
            pltpu.SemaphoreType.DMA,
            pltpu.SemaphoreType.DMA,
        ],
    )(h, src_r, dst_r, zeros)


def _mlp_body(x_ref, a0_ref, a1_ref, w1_ref, b1_ref, w2_ref, b2_ref, o_ref):
    z = x_ref[...] + a0_ref[0] + a1_ref[0]
    z1 = jnp.maximum(
        jnp.dot(z, w1_ref[...], preferred_element_type=jnp.float32)
        + b1_ref[...], 0.0)
    o_ref[...] = (jnp.dot(z1, w2_ref[...], preferred_element_type=jnp.float32)
                  + b2_ref[...])


def _mlp_pool_body(x_ref, a0_ref, a1_ref, w1_ref, b1_ref, w2_ref, b2_ref,
                   batch_ref, o_ref):
    i = pl.program_id(0)
    z = x_ref[...] + a0_ref[0] + a1_ref[0]
    z1 = jnp.maximum(
        jnp.dot(z, w1_ref[...], preferred_element_type=jnp.float32)
        + b1_ref[...], 0.0)
    h3 = (jnp.dot(z1, w2_ref[...], preferred_element_type=jnp.float32)
          + b2_ref[...])
    ids = batch_ref[0, 0]
    mask = (jax.lax.broadcasted_iota(jnp.int32, (G, ids.shape[0]), 0)
            == ids[None, :]).astype(jnp.float32)
    pooled = jnp.dot(mask, h3, preferred_element_type=jnp.float32)

    @pl.when(i == 0)
    def _():
        o_ref[...] = jnp.zeros_like(o_ref)

    o_ref[...] += pooled


_RB = 2000
_NB = N // _RB

_TC_SPECS = [
    pl.BlockSpec((_RB, D), lambda i: (i, 0)),
    pl.BlockSpec((1, _RB, D), lambda i: (0, i, 0)),
    pl.BlockSpec((1, _RB, D), lambda i: (1, i, 0)),
    pl.BlockSpec((D, D), lambda i: (0, 0)),
    pl.BlockSpec((1, D), lambda i: (0, 0)),
    pl.BlockSpec((D, D), lambda i: (0, 0)),
    pl.BlockSpec((1, D), lambda i: (0, 0)),
]


@jax.jit
def _tc_mlp(h, parts, w1, b1, w2, b2):
    return pl.pallas_call(
        _mlp_body,
        grid=(_NB,),
        in_specs=_TC_SPECS,
        out_specs=pl.BlockSpec((_RB, D), lambda i: (i, 0)),
        out_shape=jax.ShapeDtypeStruct((N, D), jnp.float32),
    )(h, parts, parts, w1, b1.reshape(1, D), w2, b2.reshape(1, D))


@jax.jit
def _tc_mlp_pool(h, parts, w1, b1, w2, b2, batch_r):
    return pl.pallas_call(
        _mlp_pool_body,
        grid=(_NB,),
        in_specs=_TC_SPECS + [pl.BlockSpec((1, 1, _RB), lambda i: (i, 0, 0))],
        out_specs=pl.BlockSpec((G, D), lambda i: (0, 0)),
        out_shape=jax.ShapeDtypeStruct((G, D), jnp.float32),
    )(h, parts, parts, w1, b1.reshape(1, D), w2, b2.reshape(1, D), batch_r)


def _stage_idx(v, fills, tail):
    r = jnp.concatenate([v, fills]).reshape(NW, JW, EB)
    r = jnp.concatenate([r, tail.reshape(NW, 1, EB)], 1)
    passes = [r[:, p * JP:p * JP + JP + 1] for p in range(NP)]
    return jnp.stack(passes, axis=1)


def kernel(x, edge_index, batch, W1_0, b1_0, W2_0, b2_0, W1_1, b1_1, W2_1,
           b2_1, W1_2, b1_2, W2_2, b2_2):
    pad = jnp.arange(E_PAD - E, dtype=jnp.int32)
    tail = jnp.arange(NW * EB, dtype=jnp.int32)
    src_r = _stage_idx(edge_index[0], pad % N, tail % N)
    dst_r = _stage_idx(edge_index[1], N + pad % NTRASH, N + tail % NTRASH)
    zeros = jnp.zeros((NZ, D), jnp.float32)
    batch_r = batch.reshape(_NB, 1, _RB)

    params = [(W1_0, b1_0, W2_0, b2_0), (W1_1, b1_1, W2_1, b2_1),
              (W1_2, b1_2, W2_2, b2_2)]
    h = x
    out = None
    for l, (w1, b1, w2, b2) in enumerate(params):
        parts = _sc_aggr(h, src_r, dst_r, zeros)
        if l < 2:
            h = _tc_mlp(h, parts, w1, b1, w2, b2)
        else:
            out = _tc_mlp_pool(h, parts, w1, b1, w2, b2, batch_r)
    return out

# --- scband reference (transcript-rebuilt; emitter-appended) ---
"""Pipeline reference for scband-ginmodel-62362925138436 (READ-ONLY COPY).

The authoritative reference and input builder live on the scoring server;
editing this copy changes nothing except your own understanding.
"""

import jax, jax.numpy as jnp
import numpy as np

N = 10000
E = 320000
D = 128
H = 128
G = 64

def setup_inputs(seed: int = 0) -> dict:
    key = jax.random.key(seed)
    ks = jax.random.split(key, 16)
    inp = {}
    inp["x"] = jax.random.normal(ks[0], (N, D), dtype=jnp.float32)
    inp["edge_index"] = jax.random.randint(ks[1], (2, E), 0, N, dtype=jnp.int32)
    inp["batch"] = jnp.sort(jax.random.randint(ks[2], (N,), 0, G, dtype=jnp.int32))
    # learned params: 3 GIN layers, each mlp = Linear(in,H) -> ReLU -> Linear(H,H)
    dims_in = [D, H, H]
    for l in range(3):
        k = jax.random.fold_in(key, 100 + l)
        k1, k2, k3, k4 = jax.random.split(k, 4)
        inp[f"W1_{l}"] = jax.random.normal(k1, (dims_in[l], H), dtype=jnp.float32) * (1.0 / np.sqrt(dims_in[l]))
        inp[f"b1_{l}"] = jax.random.normal(k2, (H,), dtype=jnp.float32) * 0.01
        inp[f"W2_{l}"] = jax.random.normal(k3, (H, H), dtype=jnp.float32) * (1.0 / np.sqrt(H))
        inp[f"b2_{l}"] = jax.random.normal(k4, (H,), dtype=jnp.float32) * 0.01
    return inp


def reference(x, edge_index, batch, W1_0, b1_0, W2_0, b2_0, W1_1, b1_1, W2_1, b2_1, W1_2, b1_2, W2_2, b2_2):
    src = edge_index[0]
    dst = edge_index[1]
    params = [(W1_0, b1_0, W2_0, b2_0), (W1_1, b1_1, W2_1, b2_1), (W1_2, b1_2, W2_2, b2_2)]
    h = x
    for (W1, b1, W2, b2) in params:
        # GINConv with eps=0: mlp((1+eps)*x + sum_{j in N(i)} x_j)
        msgs = h[src]
        aggr = jax.ops.segment_sum(msgs, dst, num_segments=N)
        z = h + aggr
        z = jnp.maximum(jnp.dot(z, W1) + b1, 0.0)
        z = jnp.dot(z, W2) + b2
        h = z
    # global_add_pool
    out = jax.ops.segment_sum(h, batch, num_segments=G)
    return out

if __name__ == "__main__":
    import jax
    _d = setup_inputs()
    print(jax.jit(kernel)(*tuple(_d.values())))

</pallas_src>

<mosaic_0001>
#map = affine_map<(d0, d1) -> (0, 0)>
#map1 = affine_map<(d0, d1) -> (0, 0, 0, 0)>
#map2 = affine_map<(d0, d1) -> (0, 0, 0)>
module attributes {stable_mosaic.version = 14 : i64} {
  func.func @_sc_aggr_body(%arg0: i32, %arg1: i32, %arg2: memref<10000x128xf32, #tpu.memory_space<hbm>>, %arg3: memref<32x2x41x128xi32, #tpu.memory_space<hbm>>, %arg4: memref<32x2x41x128xi32, #tpu.memory_space<hbm>>, %arg5: memref<10112x128xf32, #tpu.memory_space<hbm>>, %arg6: memref<2x10112x128xf32, #tpu.memory_space<hbm>>, %arg7: memref<10112x128xf32, #tpu.memory_space<vmem_shared>>, %arg8: memref<41x128xi32, #tpu.memory_space<vmem>>, %arg9: memref<41x128xi32, #tpu.memory_space<vmem>>, %arg10: memref<128x128xf32, #tpu.memory_space<vmem>>, %arg11: memref<128x128xf32, #tpu.memory_space<vmem>>, %arg12: memref<!tpu.dma_semaphore, #tpu.memory_space<semaphore_mem>>, %arg13: memref<!tpu.dma_semaphore, #tpu.memory_space<semaphore_mem>>, %arg14: memref<!tpu.dma_semaphore, #tpu.memory_space<semaphore_mem>>) attributes {dimension_semantics = [#tpu.dimension_semantics<core_parallel>, #tpu.dimension_semantics<subcore_parallel>], iteration_bounds = array<i64: 2, 16>, scalar_prefetch = 0 : i64, scratch_operands = 8 : i64, tpu.core_type = #tpu.core_type<sc_vector_subcore>, window_params = [{transform_indices = #map}, {transform_indices = #map1}, {transform_indices = #map1}, {transform_indices = #map}, {transform_indices = #map2}]} {
    %mul3A = arith.constant 16 : i32
    %mul3A_0 = arith.muli %arg0, %mul3A : i32
    %add3A = arith.addi %mul3A_0, %arg1 : i32
    %mul3A_1 = arith.constant 632 : i32
    %mul3A_2 = arith.muli %arg1, %mul3A_1 : i32
    %multiple_of3A = tpu.assume_multiple %mul3A_2, 8 : i32
    %dma_start3A = arith.constant 0 : i32
    %dma_start3A_3 = tpu.memref_slice %arg7[%multiple_of3A, %dma_start3A] : memref<10112x128xf32, #tpu.memory_space<vmem_shared>> -> memref<632x128xf32, #tpu.memory_space<vmem_shared>>
    %dma_start3A_4 = arith.constant 0 : i32
    %dma_start3A_5 = tpu.memref_slice %arg5[%multiple_of3A, %dma_start3A_4] : memref<10112x128xf32, #tpu.memory_space<hbm>> -> memref<632x128xf32, #tpu.memory_space<hbm>>
    tpu.enqueue_dma source(%dma_start3A_5 : memref<632x128xf32, #tpu.memory_space<hbm>>) target(%dma_start3A_3 : memref<632x128xf32, #tpu.memory_space<vmem_shared>>) target_semaphore(%arg14 : memref<!tpu.dma_semaphore, #tpu.memory_space<semaphore_mem>>)
    %run_scoped3A = arith.constant 0 : i32
    "tpu.region"() ({
      %run_scoped3A_23 = tpu.sem_alloc : memref<!tpu.dma_semaphore, #tpu.memory_space<semaphore_mem>>
      %dma_start3A_24 = arith.constant 0 : i32
      %dma_start3A_25 = arith.constant 0 : i32
      %dma_start3A_26 = tpu.memref_slice %arg3[%add3A, %run_scoped3A, %dma_start3A_24, %dma_start3A_25] : memref<32x2x41x128xi32, #tpu.memory_space<hbm>> -> memref<1x1x41x128xi32, #tpu.memory_space<hbm>>
      %dma_start3A_27 = tpu.memref_squeeze %dma_start3A_26 : memref<1x1x41x128xi32, #tpu.memory_space<hbm>> -> memref<41x128xi32, #tpu.memory_space<hbm>>
      %dma_start3A_28 = arith.constant 0 : i32
      %dma_start3A_29 = arith.constant 0 : i32
      %dma_start3A_30 = tpu.memref_slice %arg3[%add3A, %run_scoped3A, %dma_start3A_28, %dma_start3A_29] : memref<32x2x41x128xi32, #tpu.memory_space<hbm>> -> memref<1x1x41x128xi32, #tpu.memory_space<hbm>>
      %dma_start3A_31 = tpu.memref_squeeze %dma_start3A_30 : memref<1x1x41x128xi32, #tpu.memory_space<hbm>> -> memref<41x128xi32, #tpu.memory_space<hbm>>
      tpu.enqueue_dma source(%dma_start3A_31 : memref<41x128xi32, #tpu.memory_space<hbm>>) target(%arg8 : memref<41x128xi32, #tpu.memory_space<vmem>>) target_semaphore(%run_scoped3A_23 : memref<!tpu.dma_semaphore, #tpu.memory_space<semaphore_mem>>)
      %dma_wait3A_32 = arith.constant 0 : i32
      %dma_wait3A_33 = arith.constant 0 : i32
      %dma_wait3A_34 = tpu.memref_slice %arg3[%add3A, %run_scoped3A, %dma_wait3A_32, %dma_wait3A_33] : memref<32x2x41x128xi32, #tpu.memory_space<hbm>> -> memref<1x1x41x128xi32, #tpu.memory_space<hbm>>
      %dma_wait3A_35 = tpu.memref_squeeze %dma_wait3A_34 : memref<1x1x41x128xi32, #tpu.memory_space<hbm>> -> memref<41x128xi32, #tpu.memory_space<hbm>>
      %dma_wait3A_36 = arith.constant 0 : i32
      %dma_wait3A_37 = arith.constant 0 : i32
      %dma_wait3A_38 = tpu.memref_slice %arg3[%add3A, %run_scoped3A, %dma_wait3A_36, %dma_wait3A_37] : memref<32x2x41x128xi32, #tpu.memory_space<hbm>> -> memref<1x1x41x128xi32, #tpu.memory_space<hbm>>
      %dma_wait3A_39 = tpu.memref_squeeze %dma_wait3A_38 : memref<1x1x41x128xi32, #tpu.memory_space<hbm>> -> memref<41x128xi32, #tpu.memory_space<hbm>>
      tpu.wait_dma2 semaphore(%run_scoped3A_23 : memref<!tpu.dma_semaphore, #tpu.memory_space<semaphore_mem>>) src(%dma_wait3A_39 : memref<41x128xi32, #tpu.memory_space<hbm>>) dst(%arg8 : memref<41x128xi32, #tpu.memory_space<vmem>>)
      tpu.yield
    }) : () -> ()
    %run_scoped3A_6 = arith.constant 0 : i32
    "tpu.region"() ({
      %run_scoped3A_23 = tpu.sem_alloc : memref<!tpu.dma_semaphore, #tpu.memory_space<semaphore_mem>>
      %dma_start3A_24 = arith.constant 0 : i32
      %dma_start3A_25 = arith.constant 0 : i32
      %dma_start3A_26 = tpu.memref_slice %arg4[%add3A, %run_scoped3A_6, %dma_start3A_24, %dma_start3A_25] : memref<32x2x41x128xi32, #tpu.memory_space<hbm>> -> memref<1x1x41x128xi32, #tpu.memory_space<hbm>>
      %dma_start3A_27 = tpu.memref_squeeze %dma_start3A_26 : memref<1x1x41x128xi32, #tpu.memory_space<hbm>> -> memref<41x128xi32, #tpu.memory_space<hbm>>
      %dma_start3A_28 = arith.constant 0 : i32
      %dma_start3A_29 = arith.constant 0 : i32
      %dma_start3A_30 = tpu.memref_slice %arg4[%add3A, %run_scoped3A_6, %dma_start3A_28, %dma_start3A_29] : memref<32x2x41x128xi32, #tpu.memory_space<hbm>> -> memref<1x1x41x128xi32, #tpu.memory_space<hbm>>
      %dma_start3A_31 = tpu.memref_squeeze %dma_start3A_30 : memref<1x1x41x128xi32, #tpu.memory_space<hbm>> -> memref<41x128xi32, #tpu.memory_space<hbm>>
      tpu.enqueue_dma source(%dma_start3A_31 : memref<41x128xi32, #tpu.memory_space<hbm>>) target(%arg9 : memref<41x128xi32, #tpu.memory_space<vmem>>) target_semaphore(%run_scoped3A_23 : memref<!tpu.dma_semaphore, #tpu.memory_space<semaphore_mem>>)
      %dma_wait3A_32 = arith.constant 0 : i32
      %dma_wait3A_33 = arith.constant 0 : i32
      %dma_wait3A_34 = tpu.memref_slice %arg4[%add3A, %run_scoped3A_6, %dma_wait3A_32, %dma_wait3A_33] : memref<32x2x41x128xi32, #tpu.memory_space<hbm>> -> memref<1x1x41x128xi32, #tpu.memory_space<hbm>>
      %dma_wait3A_35 = tpu.memref_squeeze %dma_wait3A_34 : memref<1x1x41x128xi32, #tpu.memory_space<hbm>> -> memref<41x128xi32, #tpu.memory_space<hbm>>
      %dma_wait3A_36 = arith.constant 0 : i32
      %dma_wait3A_37 = arith.constant 0 : i32
      %dma_wait3A_38 = tpu.memref_slice %arg4[%add3A, %run_scoped3A_6, %dma_wait3A_36, %dma_wait3A_37] : memref<32x2x41x128xi32, #tpu.memory_space<hbm>> -> memref<1x1x41x128xi32, #tpu.memory_space<hbm>>
      %dma_wait3A_39 = tpu.memref_squeeze %dma_wait3A_38 : memref<1x1x41x128xi32, #tpu.memory_space<hbm>> -> memref<41x128xi32, #tpu.memory_space<hbm>>
      tpu.wait_dma2 semaphore(%run_scoped3A_23 : memref<!tpu.dma_semaphore, #tpu.memory_space<semaphore_mem>>) src(%dma_wait3A_39 : memref<41x128xi32, #tpu.memory_space<hbm>>) dst(%arg9 : memref<41x128xi32, #tpu.memory_space<vmem>>)
      tpu.yield
    }) : () -> ()
    %run_scoped3A_7 = arith.constant 0 : i32
    "tpu.region"() ({
      %run_scoped3A_23 = tpu.sem_alloc : memref<!tpu.dma_semaphore, #tpu.memory_space<semaphore_mem>>
      %dma_start3A_24 = arith.constant 0 : i32
      %dma_start3A_25 = tpu.memref_slice %arg8[%run_scoped3A_7, %dma_start3A_24] : memref<41x128xi32, #tpu.memory_space<vmem>> -> memref<1x128xi32, #tpu.memory_space<vmem>>
      %dma_start3A_26 = tpu.memref_squeeze %dma_start3A_25 : memref<1x128xi32, #tpu.memory_space<vmem>> -> memref<128xi32, #tpu.memory_space<vmem>>
      %dma_start3A_27 = arith.constant 0 : i32
      %dma_start3A_28 = arith.constant 0 : i32
      %dma_start3A_29 = tpu.memref_slice %arg2[%dma_start3A_27, %dma_start3A_28] : memref<10000x128xf32, #tpu.memory_space<hbm>> -> memref<10000x128xf32, #tpu.memory_space<hbm>>
      tpu.enqueue_indirect_dma source(%dma_start3A_29 : memref<10000x128xf32, #tpu.memory_space<hbm>>) target(%arg10 : memref<128x128xf32, #tpu.memory_space<vmem>>) offsets(%dma_start3A_26 : memref<128xi32, #tpu.memory_space<vmem>>) semaphore(%run_scoped3A_23 : memref<!tpu.dma_semaphore, #tpu.memory_space<semaphore_mem>>)
      %dma_wait3A_30 = arith.constant 0 : i32
      %dma_wait3A_31 = tpu.memref_slice %arg8[%run_scoped3A_7, %dma_wait3A_30] : memref<41x128xi32, #tpu.memory_space<vmem>> -> memref<1x128xi32, #tpu.memory_space<vmem>>
      %dma_wait3A_32 = tpu.memref_squeeze %dma_wait3A_31 : memref<1x128xi32, #tpu.memory_space<vmem>> -> memref<128xi32, #tpu.memory_space<vmem>>
      %dma_wait3A_33 = arith.constant 0 : i32
      %dma_wait3A_34 = arith.constant 0 : i32
      %dma_wait3A_35 = tpu.memref_slice %arg2[%dma_wait3A_33, %dma_wait3A_34] : memref<10000x128xf32, #tpu.memory_space<hbm>> -> memref<10000x128xf32, #tpu.memory_space<hbm>>
      tpu.wait_indirect_dma semaphore(%run_scoped3A_23 : memref<!tpu.dma_semaphore, #tpu.memory_space<semaphore_mem>>) src(%dma_wait3A_35 : memref<10000x128xf32, #tpu.memory_space<hbm>>) dst(%arg10 : memref<128x128xf32, #tpu.memory_space<vmem>>)
      tpu.yield
    }) : () -> ()
    %dma_wait3A = arith.constant 0 : i32
    %dma_wait3A_8 = tpu.memref_slice %arg7[%multiple_of3A, %dma_wait3A] : memref<10112x128xf32, #tpu.memory_space<vmem_shared>> -> memref<632x128xf32, #tpu.memory_space<vmem_shared>>
    %dma_wait3A_9 = arith.constant 0 : i32
    %dma_wait3A_10 = tpu.memref_slice %arg5[%multiple_of3A, %dma_wait3A_9] : memref<10112x128xf32, #tpu.memory_space<hbm>> -> memref<632x128xf32, #tpu.memory_space<hbm>>
    tpu.wait_dma2 semaphore(%arg14 : memref<!tpu.dma_semaphore, #tpu.memory_space<semaphore_mem>>) src(%dma_wait3A_10 : memref<632x128xf32, #tpu.memory_space<hbm>>) dst(%dma_wait3A_8 : memref<632x128xf32, #tpu.memory_space<vmem_shared>>)
    %barrier3A = arith.constant 0 : index
    tpu.barrier barrier_id(%barrier3A)
    %scan3A = arith.constant 0 : i32
    %scan3A_11 = arith.constant 20 : i32
    %scan3A_12 = arith.addi %scan3A, %scan3A_11 : i32
    %scan3A_13 = arith.constant 1 : i32
    scf.for %scan3A_23 = %scan3A to %scan3A_12 step %scan3A_13  : i32 {
      %mul3A_24 = arith.constant 2 : i32
      %mul3A_25 = arith.muli %scan3A_23, %mul3A_24 : i32
      %add3A_26 = arith.constant 0 : i32
      %add3A_27 = arith.addi %add3A_26, %mul3A_25 : i32
      %dma_start3A_28 = arith.constant 0 : i32
      %dma_start3A_29 = tpu.memref_slice %arg9[%add3A_27, %dma_start3A_28] : memref<41x128xi32, #tpu.memory_space<vmem>> -> memref<1x128xi32, #tpu.memory_space<vmem>>
      %dma_start3A_30 = tpu.memref_squeeze %dma_start3A_29 : memref<1x128xi32, #tpu.memory_space<vmem>> -> memref<128xi32, #tpu.memory_space<vmem>>
      %dma_start3A_31 = arith.constant 0 : i32
      %dma_start3A_32 = arith.constant 0 : i32
      %dma_start3A_33 = tpu.memref_slice %arg7[%dma_start3A_31, %dma_start3A_32] : memref<10112x128xf32, #tpu.memory_space<vmem_shared>> -> memref<10112x128xf32, #tpu.memory_space<vmem_shared>>
      tpu.enqueue_indirect_dma source(%arg10 : memref<128x128xf32, #tpu.memory_space<vmem>>) target(%dma_start3A_33 : memref<10112x128xf32, #tpu.memory_space<vmem_shared>>) offsets(%dma_start3A_30 : memref<128xi32, #tpu.memory_space<vmem>>) semaphore(%arg12 : memref<!tpu.dma_semaphore, #tpu.memory_space<semaphore_mem>>) {add = true}
      %add3A_34 = arith.constant 1 : i32
      %add3A_35 = arith.addi %add3A_27, %add3A_34 : i32
      "tpu.region"() ({
        %run_scoped3A_58 = tpu.sem_alloc : memref<!tpu.dma_semaphore, #tpu.memory_space<semaphore_mem>>
        %dma_start3A_59 = arith.constant 0 : i32
        %dma_start3A_60 = tpu.memref_slice %arg8[%add3A_35, %dma_start3A_59] : memref<41x128xi32, #tpu.memory_space<vmem>> -> memref<1x128xi32, #tpu.memory_space<vmem>>
        %dma_start3A_61 = tpu.memref_squeeze %dma_start3A_60 : memref<1x128xi32, #tpu.memory_space<vmem>> -> memref<128xi32, #tpu.memory_space<vmem>>
        %dma_start3A_62 = arith.constant 0 : i32
        %dma_start3A_63 = arith.constant 0 : i32
        %dma_start3A_64 = tpu.memref_slice %arg2[%dma_start3A_62, %dma_start3A_63] : memref<10000x128xf32, #tpu.memory_space<hbm>> -> memref<10000x128xf32, #tpu.memory_space<hbm>>
        tpu.enqueue_indirect_dma source(%dma_start3A_64 : memref<10000x128xf32, #tpu.memory_space<hbm>>) target(%arg11 : memref<128x128xf32, #tpu.memory_space<vmem>>) offsets(%dma_start3A_61 : memref<128xi32, #tpu.memory_space<vmem>>) semaphore(%run_scoped3A_58 : memref<!tpu.dma_semaphore, #tpu.memory_space<semaphore_mem>>)
        %dma_wait3A_65 = arith.constant 0 : i32
        %dma_wait3A_66 = tpu.memref_slice %arg8[%add3A_35, %dma_wait3A_65] : memref<41x128xi32, #tpu.memory_space<vmem>> -> memref<1x128xi32, #tpu.memory_space<vmem>>
        %dma_wait3A_67 = tpu.memref_squeeze %dma_wait3A_66 : memref<1x128xi32, #tpu.memory_space<vmem>> -> memref<128xi32, #tpu.memory_space<vmem>>
        %dma_wait3A_68 = arith.constant 0 : i32
        %dma_wait3A_69 = arith.constant 0 : i32
        %dma_wait3A_70 = tpu.memref_slice %arg2[%dma_wait3A_68, %dma_wait3A_69] : memref<10000x128xf32, #tpu.memory_space<hbm>> -> memref<10000x128xf32, #tpu.memory_space<hbm>>
        tpu.wait_indirect_dma semaphore(%run_scoped3A_58 : memref<!tpu.dma_semaphore, #tpu.memory_space<semaphore_mem>>) src(%dma_wait3A_70 : memref<10000x128xf32, #tpu.memory_space<hbm>>) dst(%arg11 : memref<128x128xf32, #tpu.memory_space<vmem>>)
        tpu.yield
      }) : () -> ()
      %add3A_36 = arith.constant 1 : i32
      %add3A_37 = arith.addi %add3A_27, %add3A_36 : i32
      %dma_start3A_38 = arith.constant 0 : i32
      %dma_start3A_39 = tpu.memref_slice %arg9[%add3A_37, %dma_start3A_38] : memref<41x128xi32, #tpu.memory_space<vmem>> -> memref<1x128xi32, #tpu.memory_space<vmem>>
      %dma_start3A_40 = tpu.memref_squeeze %dma_start3A_39 : memref<1x128xi32, #tpu.memory_space<vmem>> -> memref<128xi32, #tpu.memory_space<vmem>>
      %dma_start3A_41 = arith.constant 0 : i32
      %dma_start3A_42 = arith.constant 0 : i32
      %dma_start3A_43 = tpu.memref_slice %arg7[%dma_start3A_41, %dma_start3A_42] : memref<10112x128xf32, #tpu.memory_space<vmem_shared>> -> memref<10112x128xf32, #tpu.memory_space<vmem_shared>>
      tpu.enqueue_indirect_dma source(%arg11 : memref<128x128xf32, #tpu.memory_space<vmem>>) target(%dma_start3A_43 : memref<10112x128xf32, #tpu.memory_space<vmem_shared>>) offsets(%dma_start3A_40 : memref<128xi32, #tpu.memory_space<vmem>>) semaphore(%arg13 : memref<!tpu.dma_semaphore, #tpu.memory_space<semaphore_mem>>) {add = true}
      %dma_wait3A_44 = arith.constant 0 : i32
      %dma_wait3A_45 = tpu.memref_slice %arg9[%add3A_27, %dma_wait3A_44] : memref<41x128xi32, #tpu.memory_space<vmem>> -> memref<1x128xi32, #tpu.memory_space<vmem>>
      %dma_wait3A_46 = tpu.memref_squeeze %dma_wait3A_45 : memref<1x128xi32, #tpu.memory_space<vmem>> -> memref<128xi32, #tpu.memory_space<vmem>>
      %dma_wait3A_47 = arith.constant 0 : i32
      %dma_wait3A_48 = arith.constant 0 : i32
      %dma_wait3A_49 = tpu.memref_slice %arg7[%dma_wait3A_47, %dma_wait3A_48] : memref<10112x128xf32, #tpu.memory_space<vmem_shared>> -> memref<10112x128xf32, #tpu.memory_space<vmem_shared>>
      tpu.wait_indirect_dma semaphore(%arg12 : memref<!tpu.dma_semaphore, #tpu.memory_space<semaphore_mem>>) src(%arg10 : memref<128x128xf32, #tpu.memory_space<vmem>>) dst(%dma_wait3A_49 : memref<10112x128xf32, #tpu.memory_space<vmem_shared>>)
      %add3A_50 = arith.constant 2 : i32
      %add3A_51 = arith.addi %add3A_27, %add3A_50 : i32
      "tpu.region"() ({
        %run_scoped3A_58 = tpu.sem_alloc : memref<!tpu.dma_semaphore, #tpu.memory_space<semaphore_mem>>
        %dma_start3A_59 = arith.constant 0 : i32
        %dma_start3A_60 = tpu.memref_slice %arg8[%add3A_51, %dma_start3A_59] : memref<41x128xi32, #tpu.memory_space<vmem>> -> memref<1x128xi32, #tpu.memory_space<vmem>>
        %dma_start3A_61 = tpu.memref_squeeze %dma_start3A_60 : memref<1x128xi32, #tpu.memory_space<vmem>> -> memref<128xi32, #tpu.memory_space<vmem>>
        %dma_start3A_62 = arith.constant 0 : i32
        %dma_start3A_63 = arith.constant 0 : i32
        %dma_start3A_64 = tpu.memref_slice %arg2[%dma_start3A_62, %dma_start3A_63] : memref<10000x128xf32, #tpu.memory_space<hbm>> -> memref<10000x128xf32, #tpu.memory_space<hbm>>
        tpu.enqueue_indirect_dma source(%dma_start3A_64 : memref<10000x128xf32, #tpu.memory_space<hbm>>) target(%arg10 : memref<128x128xf32, #tpu.memory_space<vmem>>) offsets(%dma_start3A_61 : memref<128xi32, #tpu.memory_space<vmem>>) semaphore(%run_scoped3A_58 : memref<!tpu.dma_semaphore, #tpu.memory_space<semaphore_mem>>)
        %dma_wait3A_65 = arith.constant 0 : i32
        %dma_wait3A_66 = tpu.memref_slice %arg8[%add3A_51, %dma_wait3A_65] : memref<41x128xi32, #tpu.memory_space<vmem>> -> memref<1x128xi32, #tpu.memory_space<vmem>>
        %dma_wait3A_67 = tpu.memref_squeeze %dma_wait3A_66 : memref<1x128xi32, #tpu.memory_space<vmem>> -> memref<128xi32, #tpu.memory_space<vmem>>
        %dma_wait3A_68 = arith.constant 0 : i32
        %dma_wait3A_69 = arith.constant 0 : i32
        %dma_wait3A_70 = tpu.memref_slice %arg2[%dma_wait3A_68, %dma_wait3A_69] : memref<10000x128xf32, #tpu.memory_space<hbm>> -> memref<10000x128xf32, #tpu.memory_space<hbm>>
        tpu.wait_indirect_dma semaphore(%run_scoped3A_58 : memref<!tpu.dma_semaphore, #tpu.memory_space<semaphore_mem>>) src(%dma_wait3A_70 : memref<10000x128xf32, #tpu.memory_space<hbm>>) dst(%arg10 : memref<128x128xf32, #tpu.memory_space<vmem>>)
        tpu.yield
      }) : () -> ()
      %dma_wait3A_52 = arith.constant 0 : i32
      %dma_wait3A_53 = tpu.memref_slice %arg9[%add3A_37, %dma_wait3A_52] : memref<41x128xi32, #tpu.memory_space<vmem>> -> memref<1x128xi32, #tpu.memory_space<vmem>>
      %dma_wait3A_54 = tpu.memref_squeeze %dma_wait3A_53 : memref<1x128xi32, #tpu.memory_space<vmem>> -> memref<128xi32, #tpu.memory_space<vmem>>
      %dma_wait3A_55 = arith.constant 0 : i32
      %dma_wait3A_56 = arith.constant 0 : i32
      %dma_wait3A_57 = tpu.memref_slice %arg7[%dma_wait3A_55, %dma_wait3A_56] : memref<10112x128xf32, #tpu.memory_space<vmem_shared>> -> memref<10112x128xf32, #tpu.memory_space<vmem_shared>>
      tpu.wait_indirect_dma semaphore(%arg13 : memref<!tpu.dma_semaphore, #tpu.memory_space<semaphore_mem>>) src(%arg11 : memref<128x128xf32, #tpu.memory_space<vmem>>) dst(%dma_wait3A_57 : memref<10112x128xf32, #tpu.memory_space<vmem_shared>>)
    }
    %scan3A_14 = arith.constant 20 : i32
    %run_scoped3A_15 = arith.constant 1 : i32
    "tpu.region"() ({
      %run_scoped3A_23 = tpu.sem_alloc : memref<!tpu.dma_semaphore, #tpu.memory_space<semaphore_mem>>
      %dma_start3A_24 = arith.constant 0 : i32
      %dma_start3A_25 = arith.constant 0 : i32
      %dma_start3A_26 = tpu.memref_slice %arg3[%add3A, %run_scoped3A_15, %dma_start3A_24, %dma_start3A_25] : memref<32x2x41x128xi32, #tpu.memory_space<hbm>> -> memref<1x1x41x128xi32, #tpu.memory_space<hbm>>
      %dma_start3A_27 = tpu.memref_squeeze %dma_start3A_26 : memref<1x1x41x128xi32, #tpu.memory_space<hbm>> -> memref<41x128xi32, #tpu.memory_space<hbm>>
      %dma_start3A_28 = arith.constant 0 : i32
      %dma_start3A_29 = arith.constant 0 : i32
      %dma_start3A_30 = tpu.memref_slice %arg3[%add3A, %run_scoped3A_15, %dma_start3A_28, %dma_start3A_29] : memref<32x2x41x128xi32, #tpu.memory_space<hbm>> -> memref<1x1x41x128xi32, #tpu.memory_space<hbm>>
      %dma_start3A_31 = tpu.memref_squeeze %dma_start3A_30 : memref<1x1x41x128xi32, #tpu.memory_space<hbm>> -> memref<41x128xi32, #tpu.memory_space<hbm>>
      tpu.enqueue_dma source(%dma_start3A_31 : memref<41x128xi32, #tpu.memory_space<hbm>>) target(%arg8 : memref<41x128xi32, #tpu.memory_space<vmem>>) target_semaphore(%run_scoped3A_23 : memref<!tpu.dma_semaphore, #tpu.memory_space<semaphore_mem>>)
      %dma_wait3A_32 = arith.constant 0 : i32
      %dma_wait3A_33 = arith.constant 0 : i32
      %dma_wait3A_34 = tpu.memref_slice %arg3[%add3A, %run_scoped3A_15, %dma_wait3A_32, %dma_wait3A_33] : memref<32x2x41x128xi32, #tpu.memory_space<hbm>> -> memref<1x1x41x128xi32, #tpu.memory_space<hbm>>
      %dma_wait3A_35 = tpu.memref_squeeze %dma_wait3A_34 : memref<1x1x41x128xi32, #tpu.memory_space<hbm>> -> memref<41x128xi32, #tpu.memory_space<hbm>>
      %dma_wait3A_36 = arith.constant 0 : i32
      %dma_wait3A_37 = arith.constant 0 : i32
      %dma_wait3A_38 = tpu.memref_slice %arg3[%add3A, %run_scoped3A_15, %dma_wait3A_36, %dma_wait3A_37] : memref<32x2x41x128xi32, #tpu.memory_space<hbm>> -> memref<1x1x41x128xi32, #tpu.memory_space<hbm>>
      %dma_wait3A_39 = tpu.memref_squeeze %dma_wait3A_38 : memref<1x1x41x128xi32, #tpu.memory_space<hbm>> -> memref<41x128xi32, #tpu.memory_space<hbm>>
      tpu.wait_dma2 semaphore(%run_scoped3A_23 : memref<!tpu.dma_semaphore, #tpu.memory_space<semaphore_mem>>) src(%dma_wait3A_39 : memref<41x128xi32, #tpu.memory_space<hbm>>) dst(%arg8 : memref<41x128xi32, #tpu.memory_space<vmem>>)
      tpu.yield
    }) : () -> ()
    %run_scoped3A_16 = arith.constant 1 : i32
    "tpu.region"() ({
      %run_scoped3A_23 = tpu.sem_alloc : memref<!tpu.dma_semaphore, #tpu.memory_space<semaphore_mem>>
      %dma_start3A_24 = arith.constant 0 : i32
      %dma_start3A_25 = arith.constant 0 : i32
      %dma_start3A_26 = tpu.memref_slice %arg4[%add3A, %run_scoped3A_16, %dma_start3A_24, %dma_start3A_25] : memref<32x2x41x128xi32, #tpu.memory_space<hbm>> -> memref<1x1x41x128xi32, #tpu.memory_space<hbm>>
      %dma_start3A_27 = tpu.memref_squeeze %dma_start3A_26 : memref<1x1x41x128xi32, #tpu.memory_space<hbm>> -> memref<41x128xi32, #tpu.memory_space<hbm>>
      %dma_start3A_28 = arith.constant 0 : i32
      %dma_start3A_29 = arith.constant 0 : i32
      %dma_start3A_30 = tpu.memref_slice %arg4[%add3A, %run_scoped3A_16, %dma_start3A_28, %dma_start3A_29] : memref<32x2x41x128xi32, #tpu.memory_space<hbm>> -> memref<1x1x41x128xi32, #tpu.memory_space<hbm>>
      %dma_start3A_31 = tpu.memref_squeeze %dma_start3A_30 : memref<1x1x41x128xi32, #tpu.memory_space<hbm>> -> memref<41x128xi32, #tpu.memory_space<hbm>>
      tpu.enqueue_dma source(%dma_start3A_31 : memref<41x128xi32, #tpu.memory_space<hbm>>) target(%arg9 : memref<41x128xi32, #tpu.memory_space<vmem>>) target_semaphore(%run_scoped3A_23 : memref<!tpu.dma_semaphore, #tpu.memory_space<semaphore_mem>>)
      %dma_wait3A_32 = arith.constant 0 : i32
      %dma_wait3A_33 = arith.constant 0 : i32
      %dma_wait3A_34 = tpu.memref_slice %arg4[%add3A, %run_scoped3A_16, %dma_wait3A_32, %dma_wait3A_33] : memref<32x2x41x128xi32, #tpu.memory_space<hbm>> -> memref<1x1x41x128xi32, #tpu.memory_space<hbm>>
      %dma_wait3A_35 = tpu.memref_squeeze %dma_wait3A_34 : memref<1x1x41x128xi32, #tpu.memory_space<hbm>> -> memref<41x128xi32, #tpu.memory_space<hbm>>
      %dma_wait3A_36 = arith.constant 0 : i32
      %dma_wait3A_37 = arith.constant 0 : i32
      %dma_wait3A_38 = tpu.memref_slice %arg4[%add3A, %run_scoped3A_16, %dma_wait3A_36, %dma_wait3A_37] : memref<32x2x41x128xi32, #tpu.memory_space<hbm>> -> memref<1x1x41x128xi32, #tpu.memory_space<hbm>>
      %dma_wait3A_39 = tpu.memref_squeeze %dma_wait3A_38 : memref<1x1x41x128xi32, #tpu.memory_space<hbm>> -> memref<41x128xi32, #tpu.memory_space<hbm>>
      tpu.wait_dma2 semaphore(%run_scoped3A_23 : memref<!tpu.dma_semaphore, #tpu.memory_space<semaphore_mem>>) src(%dma_wait3A_39 : memref<41x128xi32, #tpu.memory_space<hbm>>) dst(%arg9 : memref<41x128xi32, #tpu.memory_space<vmem>>)
      tpu.yield
    }) : () -> ()
    %scan3A_17 = arith.constant 0 : i32
    %scan3A_18 = arith.constant 20 : i32
    %scan3A_19 = arith.addi %scan3A_17, %scan3A_18 : i32
    %scan3A_20 = arith.constant 1 : i32
    scf.for %scan3A_23 = %scan3A_17 to %scan3A_19 step %scan3A_20  : i32 {
      %mul3A_24 = arith.constant 2 : i32
      %mul3A_25 = arith.muli %scan3A_23, %mul3A_24 : i32
      %add3A_26 = arith.constant 0 : i32
      %add3A_27 = arith.addi %add3A_26, %mul3A_25 : i32
      %dma_start3A_28 = arith.constant 0 : i32
      %dma_start3A_29 = tpu.memref_slice %arg9[%add3A_27, %dma_start3A_28] : memref<41x128xi32, #tpu.memory_space<vmem>> -> memref<1x128xi32, #tpu.memory_space<vmem>>
      %dma_start3A_30 = tpu.memref_squeeze %dma_start3A_29 : memref<1x128xi32, #tpu.memory_space<vmem>> -> memref<128xi32, #tpu.memory_space<vmem>>
      %dma_start3A_31 = arith.constant 0 : i32
      %dma_start3A_32 = arith.constant 0 : i32
      %dma_start3A_33 = tpu.memref_slice %arg7[%dma_start3A_31, %dma_start3A_32] : memref<10112x128xf32, #tpu.memory_space<vmem_shared>> -> memref<10112x128xf32, #tpu.memory_space<vmem_shared>>
      tpu.enqueue_indirect_dma source(%arg10 : memref<128x128xf32, #tpu.memory_space<vmem>>) target(%dma_start3A_33 : memref<10112x128xf32, #tpu.memory_space<vmem_shared>>) offsets(%dma_start3A_30 : memref<128xi32, #tpu.memory_space<vmem>>) semaphore(%arg12 : memref<!tpu.dma_semaphore, #tpu.memory_space<semaphore_mem>>) {add = true}
      %add3A_34 = arith.constant 1 : i32
      %add3A_35 = arith.addi %add3A_27, %add3A_34 : i32
      "tpu.region"() ({
        %run_scoped3A_58 = tpu.sem_alloc : memref<!tpu.dma_semaphore, #tpu.memory_space<semaphore_mem>>
        %dma_start3A_59 = arith.constant 0 : i32
        %dma_start3A_60 = tpu.memref_slice %arg8[%add3A_35, %dma_start3A_59] : memref<41x128xi32, #tpu.memory_space<vmem>> -> memref<1x128xi32, #tpu.memory_space<vmem>>
        %dma_start3A_61 = tpu.memref_squeeze %dma_start3A_60 : memref<1x128xi32, #tpu.memory_space<vmem>> -> memref<128xi32, #tpu.memory_space<vmem>>
        %dma_start3A_62 = arith.constant 0 : i32
        %dma_start3A_63 = arith.constant 0 : i32
        %dma_start3A_64 = tpu.memref_slice %arg2[%dma_start3A_62, %dma_start3A_63] : memref<10000x128xf32, #tpu.memory_space<hbm>> -> memref<10000x128xf32, #tpu.memory_space<hbm>>
        tpu.enqueue_indirect_dma source(%dma_start3A_64 : memref<10000x128xf32, #tpu.memory_space<hbm>>) target(%arg11 : memref<128x128xf32, #tpu.memory_space<vmem>>) offsets(%dma_start3A_61 : memref<128xi32, #tpu.memory_space<vmem>>) semaphore(%run_scoped3A_58 : memref<!tpu.dma_semaphore, #tpu.memory_space<semaphore_mem>>)
        %dma_wait3A_65 = arith.constant 0 : i32
        %dma_wait3A_66 = tpu.memref_slice %arg8[%add3A_35, %dma_wait3A_65] : memref<41x128xi32, #tpu.memory_space<vmem>> -> memref<1x128xi32, #tpu.memory_space<vmem>>
        %dma_wait3A_67 = tpu.memref_squeeze %dma_wait3A_66 : memref<1x128xi32, #tpu.memory_space<vmem>> -> memref<128xi32, #tpu.memory_space<vmem>>
        %dma_wait3A_68 = arith.constant 0 : i32
        %dma_wait3A_69 = arith.constant 0 : i32
        %dma_wait3A_70 = tpu.memref_slice %arg2[%dma_wait3A_68, %dma_wait3A_69] : memref<10000x128xf32, #tpu.memory_space<hbm>> -> memref<10000x128xf32, #tpu.memory_space<hbm>>
        tpu.wait_indirect_dma semaphore(%run_scoped3A_58 : memref<!tpu.dma_semaphore, #tpu.memory_space<semaphore_mem>>) src(%dma_wait3A_70 : memref<10000x128xf32, #tpu.memory_space<hbm>>) dst(%arg11 : memref<128x128xf32, #tpu.memory_space<vmem>>)
        tpu.yield
      }) : () -> ()
      %add3A_36 = arith.constant 1 : i32
      %add3A_37 = arith.addi %add3A_27, %add3A_36 : i32
      %dma_start3A_38 = arith.constant 0 : i32
      %dma_start3A_39 = tpu.memref_slice %arg9[%add3A_37, %dma_start3A_38] : memref<41x128xi32, #tpu.memory_space<vmem>> -> memref<1x128xi32, #tpu.memory_space<vmem>>
      %dma_start3A_40 = tpu.memref_squeeze %dma_start3A_39 : memref<1x128xi32, #tpu.memory_space<vmem>> -> memref<128xi32, #tpu.memory_space<vmem>>
      %dma_start3A_41 = arith.constant 0 : i32
      %dma_start3A_42 = arith.constant 0 : i32
      %dma_start3A_43 = tpu.memref_slice %arg7[%dma_start3A_41, %dma_start3A_42] : memref<10112x128xf32, #tpu.memory_space<vmem_shared>> -> memref<10112x128xf32, #tpu.memory_space<vmem_shared>>
      tpu.enqueue_indirect_dma source(%arg11 : memref<128x128xf32, #tpu.memory_space<vmem>>) target(%dma_start3A_43 : memref<10112x128xf32, #tpu.memory_space<vmem_shared>>) offsets(%dma_start3A_40 : memref<128xi32, #tpu.memory_space<vmem>>) semaphore(%arg13 : memref<!tpu.dma_semaphore, #tpu.memory_space<semaphore_mem>>) {add = true}
      %dma_wait3A_44 = arith.constant 0 : i32
      %dma_wait3A_45 = tpu.memref_slice %arg9[%add3A_27, %dma_wait3A_44] : memref<41x128xi32, #tpu.memory_space<vmem>> -> memref<1x128xi32, #tpu.memory_space<vmem>>
      %dma_wait3A_46 = tpu.memref_squeeze %dma_wait3A_45 : memref<1x128xi32, #tpu.memory_space<vmem>> -> memref<128xi32, #tpu.memory_space<vmem>>
      %dma_wait3A_47 = arith.constant 0 : i32
      %dma_wait3A_48 = arith.constant 0 : i32
      %dma_wait3A_49 = tpu.memref_slice %arg7[%dma_wait3A_47, %dma_wait3A_48] : memref<10112x128xf32, #tpu.memory_space<vmem_shared>> -> memref<10112x128xf32, #tpu.memory_space<vmem_shared>>
      tpu.wait_indirect_dma semaphore(%arg12 : memref<!tpu.dma_semaphore, #tpu.memory_space<semaphore_mem>>) src(%arg10 : memref<128x128xf32, #tpu.memory_space<vmem>>) dst(%dma_wait3A_49 : memref<10112x128xf32, #tpu.memory_space<vmem_shared>>)
      %add3A_50 = arith.constant 2 : i32
      %add3A_51 = arith.addi %add3A_27, %add3A_50 : i32
      "tpu.region"() ({
        %run_scoped3A_58 = tpu.sem_alloc : memref<!tpu.dma_semaphore, #tpu.memory_space<semaphore_mem>>
        %dma_start3A_59 = arith.constant 0 : i32
        %dma_start3A_60 = tpu.memref_slice %arg8[%add3A_51, %dma_start3A_59] : memref<41x128xi32, #tpu.memory_space<vmem>> -> memref<1x128xi32, #tpu.memory_space<vmem>>
        %dma_start3A_61 = tpu.memref_squeeze %dma_start3A_60 : memref<1x128xi32, #tpu.memory_space<vmem>> -> memref<128xi32, #tpu.memory_space<vmem>>
        %dma_start3A_62 = arith.constant 0 : i32
        %dma_start3A_63 = arith.constant 0 : i32
        %dma_start3A_64 = tpu.memref_slice %arg2[%dma_start3A_62, %dma_start3A_63] : memref<10000x128xf32, #tpu.memory_space<hbm>> -> memref<10000x128xf32, #tpu.memory_space<hbm>>
        tpu.enqueue_indirect_dma source(%dma_start3A_64 : memref<10000x128xf32, #tpu.memory_space<hbm>>) target(%arg10 : memref<128x128xf32, #tpu.memory_space<vmem>>) offsets(%dma_start3A_61 : memref<128xi32, #tpu.memory_space<vmem>>) semaphore(%run_scoped3A_58 : memref<!tpu.dma_semaphore, #tpu.memory_space<semaphore_mem>>)
        %dma_wait3A_65 = arith.constant 0 : i32
        %dma_wait3A_66 = tpu.memref_slice %arg8[%add3A_51, %dma_wait3A_65] : memref<41x128xi32, #tpu.memory_space<vmem>> -> memref<1x128xi32, #tpu.memory_space<vmem>>
        %dma_wait3A_67 = tpu.memref_squeeze %dma_wait3A_66 : memref<1x128xi32, #tpu.memory_space<vmem>> -> memref<128xi32, #tpu.memory_space<vmem>>
        %dma_wait3A_68 = arith.constant 0 : i32
        %dma_wait3A_69 = arith.constant 0 : i32
        %dma_wait3A_70 = tpu.memref_slice %arg2[%dma_wait3A_68, %dma_wait3A_69] : memref<10000x128xf32, #tpu.memory_space<hbm>> -> memref<10000x128xf32, #tpu.memory_space<hbm>>
        tpu.wait_indirect_dma semaphore(%run_scoped3A_58 : memref<!tpu.dma_semaphore, #tpu.memory_space<semaphore_mem>>) src(%dma_wait3A_70 : memref<10000x128xf32, #tpu.memory_space<hbm>>) dst(%arg10 : memref<128x128xf32, #tpu.memory_space<vmem>>)
        tpu.yield
      }) : () -> ()
      %dma_wait3A_52 = arith.constant 0 : i32
      %dma_wait3A_53 = tpu.memref_slice %arg9[%add3A_37, %dma_wait3A_52] : memref<41x128xi32, #tpu.memory_space<vmem>> -> memref<1x128xi32, #tpu.memory_space<vmem>>
      %dma_wait3A_54 = tpu.memref_squeeze %dma_wait3A_53 : memref<1x128xi32, #tpu.memory_space<vmem>> -> memref<128xi32, #tpu.memory_space<vmem>>
      %dma_wait3A_55 = arith.constant 0 : i32
      %dma_wait3A_56 = arith.constant 0 : i32
      %dma_wait3A_57 = tpu.memref_slice %arg7[%dma_wait3A_55, %dma_wait3A_56] : memref<10112x128xf32, #tpu.memory_space<vmem_shared>> -> memref<10112x128xf32, #tpu.memory_space<vmem_shared>>
      tpu.wait_indirect_dma semaphore(%arg13 : memref<!tpu.dma_semaphore, #tpu.memory_space<semaphore_mem>>) src(%arg11 : memref<128x128xf32, #tpu.memory_space<vmem>>) dst(%dma_wait3A_57 : memref<10112x128xf32, #tpu.memory_space<vmem_shared>>)
    }
    %scan3A_21 = arith.constant 20 : i32
    %barrier3A_22 = arith.constant 0 : index
    tpu.barrier barrier_id(%barrier3A_22)
    "tpu.region"() ({
      %run_scoped3A_23 = tpu.sem_alloc : memref<!tpu.dma_semaphore, #tpu.memory_space<semaphore_mem>>
      %dma_start3A_24 = arith.constant 0 : i32
      %dma_start3A_25 = tpu.memref_slice %arg6[%arg0, %multiple_of3A, %dma_start3A_24] : memref<2x10112x128xf32, #tpu.memory_space<hbm>> -> memref<1x632x128xf32, #tpu.memory_space<hbm>>
      %dma_start3A_26 = tpu.memref_squeeze %dma_start3A_25 : memref<1x632x128xf32, #tpu.memory_space<hbm>> -> memref<632x128xf32, #tpu.memory_space<hbm>>
      %dma_start3A_27 = arith.constant 0 : i32
      %dma_start3A_28 = tpu.memref_slice %arg7[%multiple_of3A, %dma_start3A_27] : memref<10112x128xf32, #tpu.memory_space<vmem_shared>> -> memref<632x128xf32, #tpu.memory_space<vmem_shared>>
      tpu.enqueue_dma source(%dma_start3A_28 : memref<632x128xf32, #tpu.memory_space<vmem_shared>>) target(%dma_start3A_26 : memref<632x128xf32, #tpu.memory_space<hbm>>) target_semaphore(%run_scoped3A_23 : memref<!tpu.dma_semaphore, #tpu.memory_space<semaphore_mem>>)
      %dma_wait3A_29 = arith.constant 0 : i32
      %dma_wait3A_30 = tpu.memref_slice %arg6[%arg0, %multiple_of3A, %dma_wait3A_29] : memref<2x10112x128xf32, #tpu.memory_space<hbm>> -> memref<1x632x128xf32, #tpu.memory_space<hbm>>
      %dma_wait3A_31 = tpu.memref_squeeze %dma_wait3A_30 : memref<1x632x128xf32, #tpu.memory_space<hbm>> -> memref<632x128xf32, #tpu.memory_space<hbm>>
      %dma_wait3A_32 = arith.constant 0 : i32
      %dma_wait3A_33 = tpu.memref_slice %arg7[%multiple_of3A, %dma_wait3A_32] : memref<10112x128xf32, #tpu.memory_space<vmem_shared>> -> memref<632x128xf32, #tpu.memory_space<vmem_shared>>
      tpu.wait_dma2 semaphore(%run_scoped3A_23 : memref<!tpu.dma_semaphore, #tpu.memory_space<semaphore_mem>>) src(%dma_wait3A_33 : memref<632x128xf32, #tpu.memory_space<vmem_shared>>) dst(%dma_wait3A_31 : memref<632x128xf32, #tpu.memory_space<hbm>>)
      tpu.yield
    }) : () -> ()
    return
  }
}

</mosaic_0001>

<sc_bundles>
// kernel: _sc_aggr.3.cloned.1.call-start
scs
__scs_entry_jumppad:
0x0: {  	(pc) =	sbr.rel $0x88, $3  }
0x1: {  	(tag) =	ssettag $0x0;
	lr =	simm.s32 $0x1  }
0x2: {  	[smem:$0x3F9D] =	sst lr;
	_ =	strace $0xD0000000  }
0x3: {  	_ = 	snop  }
0x4: {  	_ = 	snop  }
0x5: {  	_ = 	snop  }
0x6: {  	_ = 	snop  }
0x7: {  	_ = 	snop  }
__scs_overlays_trampoline_lowered:
0x8: {  	[smem:$0x3FAC] =	sst s0  }
0x9: {  	[smem:$0x3FAD] =	sst s1  }
0xa: {  	[smem:$0x3FAE] =	sst s2  }
0xb: {  	[smem:$0x3FAF] =	sst s3  }
0xc: {  	[smem:$0x3FB0] =	sst s4  }
0xd: {  	[smem:$0x3FB1] =	sst s5  }
0xe: {  	[smem:$0x3FB2] =	sst s6  }
0xf: {  	[smem:$0x3FB3] =	sst s7  }
0x10: {  	[smem:$0x3FB4] =	sst s8  }
0x11: {  	[smem:$0x3FB5] =	sst s9;
	s0 =	simm.s32 @!p0 $0x0  }
0x12: {  	s1 =	sld [smem:$0x3F9B];
	s0 =	simm.s32 @p0 $0x1  }
0x13: {  	[smem:$0x3FB6] =	sst s0;
	s0 =	simm.s32 @!p1 $0x0  }
0x14: {  	s2 =	sld [smem:$0x3F9A];
	s0 =	simm.s32 @p1 $0x1  }
0x15: {  	[smem:$0x3FB7] =	sst s0;
	s0 =	simm.s32 @!p2 $0x0  }
0x16: {  	s3 =	sld [smem:$0x3FDB];
	s0 =	simm.s32 @p2 $0x1  }
0x17: {  	s4 =	simm.s32 $0x1BF5;
	[smem:$0x3FB9] =	sst s0  }
0x18: {  	s0 =	sld [smem:$0x3F9C];
	_ =	swait.ge [sflag:s4], $0x0  }
0x19: {  	s7 =	sld [smem:$0x3F9D]  }
0x1a: {  	s8 =	sadd.s32 $0xFFFFE003, lr  }
0x1b: {  	s9 =	sadd.s32 $0xFFFFFEF7, lr;
	s5 =	simm.s32 $0xFFFFFFFF;
	p2 =	slt.u32 s8, $0xFFFFF086  }
0x1c: {  	p1 =	slt.u32 s9, $0xF7A;
	s5 =	simm.s32 @!p2 $0x0  }
0x1d: {  	s5 =	simm.s32 @p1 $0x1;
	p0 =	seq.s32 s7, s2  }
0x1e: {  	s7 =	smul.u32 @!p0 $0xF7A, s2;
	p2 =	seq.s32 @!p0 s5, $0x0  }
0x1f: {  	s9 =	smul.u32 $0xF7A, s1;
	s8 =	simm.s32 @!p0 $0x1BF5;
	p2 =	por !p2, p0  }
0x20: {  	[sflag:s8] =	ssyncset.s32 @!p0 $0xFFFFF086;
	s6 =	sadd.s32 @!p0 s3, s7;
	s7 =	simm.s32 @!p0 $0x108  }
0x21: {  	s3 =	sadd.s32 s3, s9;
	s6 =	sadd.s32 @!p0 $0x88, s6;
	s7 =	simm.s32 @p2 $0x1082  }
0x22: {  	[simem:s7], [sflag:s8] =	dma.local @!p0 [hbm:s6], $0xF7A  }
0x23: {  	s9 =	sor.u32 $0xD0000000, s2;
	s6 =	simm.s32 $0x108;
	_ =	swait.ge @!p0 [sflag:s8], $0x0  }
0x24: {  	s3 =	sadd.s32 $0x88, s3;
	s6 =	simm.s32 @!p1 $0x1082;
	[sflag:s4] =	ssyncset.s32 $0xFFFFF086  }
0x25: {  	[simem:s6], [sflag:s4] =	dma.local [hbm:s3], $0xF7A  }
0x26: {  	[smem:$0x3F9D] =	sst s1;
	(tag) =	ssettag s2;
	_ =	strace s9  }
0x27: {  	s1 =	sld [smem:$0x3FAD]  }
0x28: {  	s2 =	sld [smem:$0x3FAE]  }
0x29: {  	s4 =	sld [smem:$0x3FB0]  }
0x2a: {  	p0 =	seq.s32 s5, $0x0;
	s5 =	sld [smem:$0x3FB1]  }
0x2b: {  	s6 =	sld [smem:$0x3FB2]  }
0x2c: {  	s7 =	sld [smem:$0x3FB3]  }
0x2d: {  	s3 =	simm.s32 $0x108;
	s8 =	sld [smem:$0x3FB4]  }
0x2e: {  	s3 =	simm.s32 @!p0 $0x1082;
	s9 =	sld [smem:$0x3FB5]  }
0x2f: {  	lr =	sadd.s32 s0, s3;
	s0 =	sld [smem:$0x3FAC]  }
0x30: {  	s3 =	sld [smem:$0x3FAF]  }
0x31: {  	[smem:$0x3FB8] =	sst s10  }
0x32: {  	s10 =	sld [smem:$0x3FB6];
	_ =	sdelay $0x3  }
0x33: {  	p0 =	seq.s32 s10, $0x1;
	s10 =	sld [smem:$0x3FB8];
	_ =	sdelay $0x3  }
0x34: {  	[smem:$0x3FB8] =	sst s10  }
0x35: {  	s10 =	sld [smem:$0x3FB7];
	_ =	sdelay $0x3  }
0x36: {  	p1 =	seq.s32 s10, $0x1;
	s10 =	sld [smem:$0x3FB8];
	_ =	sdelay $0x3  }
0x37: {  	[smem:$0x3FB8] =	sst s10  }
0x38: {  	s10 =	sld [smem:$0x3FB9]  }
0x39: {  	_ = 	snop;
	(pc) =	sbr.ind lr, $3  }
0x3a: {  	_ = 	snop  }
0x3b: {  	_ = 	snop  }
0x3c: {  	p2 =	seq.s32 s10, $0x1;
	s10 =	sld [smem:$0x3FB8]  }
0x3d: {  	_ =	shalt  }
0x3e: {  	_ =	shalt  }
0x3f: {  	_ =	shalt  }
0x40: {  	_ =	shalt  }
0x41: {  	_ =	shalt  }
0x42: {  	_ =	shalt  }
0x43: {  	_ =	shalt  }
0x44: {  	_ =	shalt  }
0x45: {  	_ =	shalt  }
0x46: {  	_ =	shalt  }
0x47: {  	_ =	shalt  }
0x48: {  	_ =	shalt  }
0x49: {  	_ =	shalt  }
0x4a: {  	_ =	shalt  }
0x4b: {  	_ =	shalt  }
0x4c: {  	_ =	shalt  }
0x4d: {  	_ =	shalt  }
0x4e: {  	_ =	shalt  }
0x4f: {  	_ =	shalt  }
0x50: {  	_ =	shalt  }
0x51: {  	_ =	shalt  }
0x52: {  	_ =	shalt  }
0x53: {  	_ =	shalt  }
0x54: {  	_ =	shalt  }
0x55: {  	_ =	shalt  }
0x56: {  	_ =	shalt  }
0x57: {  	_ =	shalt  }
0x58: {  	_ =	shalt  }
0x59: {  	_ =	shalt  }
0x5a: {  	_ =	shalt  }
0x5b: {  	_ =	shalt  }
0x5c: {  	_ =	shalt  }
0x5d: {  	_ =	shalt  }
0x5e: {  	_ =	shalt  }
0x5f: {  	_ =	shalt  }
0x60: {  	_ =	shalt  }
0x61: {  	_ =	shalt  }
0x62: {  	_ =	shalt  }
0x63: {  	_ =	shalt  }
0x64: {  	_ =	shalt  }
0x65: {  	_ =	shalt  }
0x66: {  	_ =	shalt  }
0x67: {  	_ =	shalt  }
0x68: {  	_ =	shalt  }
0x69: {  	_ =	shalt  }
0x6a: {  	_ =	shalt  }
0x6b: {  	_ =	shalt  }
0x6c: {  	_ =	shalt  }
0x6d: {  	_ =	shalt  }
0x6e: {  	_ =	shalt  }
0x6f: {  	_ =	shalt  }
0x70: {  	_ =	shalt  }
0x71: {  	_ =	shalt  }
0x72: {  	_ =	shalt  }
0x73: {  	_ =	shalt  }
0x74: {  	_ =	shalt  }
0x75: {  	_ =	shalt  }
0x76: {  	_ =	shalt  }
0x77: {  	_ =	shalt  }
0x78: {  	_ =	shalt  }
0x79: {  	_ =	shalt  }
0x7a: {  	_ =	shalt  }
0x7b: {  	_ =	shalt  }
0x7c: {  	_ =	shalt  }
0x7d: {  	_ =	shalt  }
0x7e: {  	_ =	shalt  }
0x7f: {  	_ =	shalt  }
0x80: {  	_ =	shalt  }
0x81: {  	_ =	shalt  }
0x82: {  	_ =	shalt  }
0x83: {  	_ =	shalt  }
0x84: {  	_ =	shalt  }
0x85: {  	_ =	shalt  }
0x86: {  	_ =	shalt  }
0x87: {  	_ =	shalt  }
.Lfunc_end0:
.L_simem_size_0:
called_computation_lowered:
.L_overlay_start_0:
0x88: {  	s2 =	sld [smem:$0x3FD9]  }
0x89: {  	s3 =	sld [smem:$0x3FFE];
	_ =	sdelay $0x1  }
0x8a: {  	s1 =	srdreg.scid  }
0x8b: {  	s0 =	sand.u32 $0x1, s1  }
0x8c: {  	s17 =	sshll.u32 s0, $0xA;
	s2 =	sadd.s32 s3, s2  }
0x8d: {  	s2 =	sadd.s32 s2, s17  }
0x8e: {  	[smem:$0x3FC4] =	sst s2  }
0x8f: {  	_ = 	snop  }
0x90: {  	s2 =	sld [smem:$0x3FC9]  }
0x91: {  	s18 =	sld [smem:$0x3FC6]  }
0x92: {  	s4 =	sld [smem:$0x3FD0];
	(tm) =	ssettm $0x1  }
0x93: {  	s5 =	sld [smem:$0x3FFB];
	_ =	sdelay $0x3  }
0x94: {  	_ =	strace s5  }
0x95: {  	s5 =	sld [smem:$0x3FFC];
	_ =	sdelay $0x3  }
0x96: {  	_ =	strace s5  }
0x97: {  	s5 =	sld [smem:$0x3FFD];
	_ =	sdelay $0x3  }
0x98: {  	_ =	strace s5  }
0x99: {  	_ =	strace $0x8FFFFFFF  }
0x9a: {  	s19 =	sld [smem:$0x3FDB];
	_ =	sdelay $0x1  }
0x9b: {  	s6 =	simm.s32 $_scs_section_size  }
0x9c: {  	s7 =	simm.s32 $_size__tile_overlayer_lowered;
	s8 =	simm.s32 $_tile_overlayer_lowered  }
0x9d: {  	s22 =	simm.s32 $0x1BFF;
	s21 =	sshll.u32 s8, $0x1;
	s5 =	sadd.s32 s6, s19  }
0x9e: {  	s9 =	simm.s32 $0x0;
	s20 =	sshll.u32 s7, $0x1;
	s7 =	sadd.s32 s21, s5  }
0x9f: {  	[timem:s9], [sflag:s22] =	dma.local [hbm:s7], s20  }
0xa0: {  	_ =	swait.ge [sflag:s22], s20  }
0xa1: {  	s6 =	ssub.s32 $0x0, s20;
	[sflag:s22] =	ssyncset.done $0x0  }
0xa2: {  	[sflag:s22] =	ssyncadd.s32 s6;
	_ =	sdelay $0x1  }
0xa3: {  	s23 =	simm.s32 $0x1B8B  }
0xa4: {  	_ =	swait.ge [sflag:s23], $0x1  }
0xa5: {  	[sflag:s23] =	ssyncset.done $0x0  }
0xa6: {  	s25 =	simm.s32 $0x1B8E;
	s24 =	sld [smem:$0x3FFE];
	[sflag:s23] =	ssyncadd.s32 $0xFFFFFFFF  }
0xa7: {  	s26 =	simm.s32 $execute0_lowered;
	[smem:$0x3FD2] =	sst s25  }
0xa8: {  	s7 =	sshll.u32 s26, $0x1;
	_ =	strace $0x80000046;
	[dreg:$0x1] =	wrdreg $0xFFFFFFFF  }
0xa9: {  	s28 =	simm.s32 $_size_execute0_lowered;
	s5 =	sadd.s32 s5, s7;
	[dreg:$0x0] =	wrdreg $0x0  }
0xaa: {  	s7 =	sshll.u32 s28, $0x1;
	[dreg:$0x2] =	wrdreg s5  }
0xab: {  	[dreg:$0x3] =	wrdreg s7  }
0xac: {  	[dreg:$0x4] =	wrdreg $0xC0  }
0xad: {  	_ =	task [dreg:s9], $0x5FFFF  }
0xae: {  	[dreg:$0x1] =	wrdreg $0xFFFFFFFF  }
0xaf: {  	[dreg:$0x0] =	wrdreg $0x60  }
0xb0: {  	[dreg:$0x2] =	wrdreg s2  }
0xb1: {  	[dreg:$0x3] =	wrdreg s24  }
0xb2: {  	[dreg:$0x4] =	wrdreg s18  }
0xb3: {  	[dreg:$0x5] =	wrdreg s4  }
0xb4: {  	[dreg:$0x6] =	wrdreg $0x0  }
0xb5: {  	[dreg:$0x7] =	wrdreg $0x9  }
0xb6: {  	_ =	task.clear_ibuf [dreg:s9], $0x8FFFF;
	_ =	strace $0x90000046  }
0xb7: {  	s29 =	simm.s32 $0x9;
	_ =	strace $0x80000048  }
0xb8: {  	_ =	swait.ge [sflag:s29], $0x1  }
0xb9: {  	[sflag:s29] =	ssyncadd.s32 $0xFFFFFFFF  }
0xba: {  	_ =	strace $0x90000048  }
0xbb: {  	_ =	sfence  }
0xbc: {  	s30 =	sld [smem:$0x0];
	_ =	sdelay $0x2  }
0xbd: {  	s31 =	sshll.u32 s1, $0xD;
	s1 =	sshrl.u32 s1, $0x2  }
0xbe: {  	s3 =	sand.u32 $0x4000, s31;
	s1 =	sadd.s32 s1, s30  }
0xbf: {  	s0 =	sor.u32 s3, s0;
	s1 =	sshll.u32 s1, $0x11  }
0xc0: {  	s0 =	sor.u32 s1, s0  }
0xc1: {  	s0 =	sadd.s32 $0x8F2B, s0  }
0xc2: {  	[sflag:s0] =	ssyncadd.remote.s32 $0x1  }
0xc3: {  	_ =	sfence.sel $0xFFFF  }
0xc4: {  	[dreg:$0x0] =	wrdreg $0xFFFFFFFF;
	(pc) =	sbr.abs _section_cstart, $3  }
0xc5: {  	[dreg:$0x1] =	wrdreg $0xFFFFFFFF  }
0xc6: {  	_ =	task.clear_ibuf [dreg:s9], $0x2FFFF;
	_ =	strace $0x9FFFFFFF  }
0xc7: {  	(tm) =	ssettm $0x7FFFFFFF  }
tec
execute0_lowered:
.L_overlay_start_1:
0x0: {  	(tag) =	ssettag $0x1  }
0x1: {  	s1 =	rddreg [dreg:$0x0]  }
0x2: {  	s4 =	rddreg [dreg:$0x1]  }
0x3: {  	s5 =	rddreg [dreg:$0x2]  }
0x4: {  	s12 =	rddreg [dreg:$0x3]  }
0x5: {  	s2 =	rddreg [dreg:$0x4]  }
0x6: {  	s0 =	rddreg [dreg:$0x5];
	s3 =	simm.s32 $0x0;
	s6 =	srdreg.scid  }
0x7: {  	s17 =	simm.s32 $0x15400;
	s18 =	simm.s32 $0x80;
	s19 =	simm.s32 $0x16C00  }
0x8: {  	s20 =	simm.s32 $0x3;
	s21 =	simm.s32 $0x1AC00;
	s22 =	simm.s32 $0x1  }
0x9: {  	s23 =	simm.s32 $0x2;
	s24 =	simm.s32 $0x0;
	[smem:$0x7FF] =	sst s3  }
0xa: {  	s10 =	sadd.s32 $0x600, s4;
	s11 =	sadd.s32 $0xC600, s4;
	s4 =	stileid.u32  }
0xb: {  	s6 =	sand.u32 $0x1, s6;
	_ =	strace $0x80000047;
	s8 =	smul.u32 $0x4F000, s4  }
0xc: {  	s7 =	ssub.s32 $0x2, s6;
	s9 =	sshll.u32 s6, $0x4;
	s14 =	smul.u32 $0x13C00, s4  }
0xd: {  	s31 =	smul.u32 $0x13C000, s6;
	s6 =	sshll.u32 s4, $0x6;
	s13 =	sshrl.u32 s7, $0x1  }
0xe: {  	s9 =	sor.u32 s4, s9;
	s13 =	ssub.s32 s7, s13;
	s28 =	sshrl.u32 s8, $0x2  }
0xf: {  	s29 =	smul.u32 $0x3000, s9;
	s30 =	sshrl.u32 s14, $0x3;
	s7 =	sor.u32 $0x1C03, s6  }
0x10: {  	s14 =	sadd.s32 s14, s31;
	s15 =	sadd.s32 s28, s2;
	s5 =	sadd.s32 s5, s30  }
0x11: {  	s14 =	sshrl.u32 s14, $0x3;
	s13 =	smax.u32 s13, $0x1;
	s16 =	sshrl.u32 s29, $0x3  }
0x12: {  	s12 =	sadd.s32 s12, s14;
	s14 =	sshrl.u32 s15, $0x3;
	s15 =	simm.s32 $0x13C00  }
0x13: {  	s8 =	sadd.s32 s10, s16;
	s9 =	sadd.s32 s11, s16;
	s16 =	sadd.s32 $0x300, s16  }
0x14: {  	s10 =	sadd.s32 s10, s16;
	s11 =	sadd.s32 s11, s16;
	s16 =	simm.s32 $0x4  }
.LBB2_1:
0x15: {  	[spmem:s14], [sflag:s7] =	dma.local [hbm:s5], $0x2780  }
0x16: {  	[tilespmem:s15], [sflag:$0x4] =	stream.linear.gather [hbm4b:s8+s3], $0x1480, $0x38;
	[tilespmem:$0x1EC00] =	vst v63  }
0x17: {  	_ =	swait.ge [sflag:s16], $0x1480  }
0x18: {  	[sflag:s16] =	ssyncset.done $0x0  }
0x19: {  	[sflag:s16] =	ssyncadd.s32 $0xFFFFEB80  }
0x1a: {  	[tilespmem:s17], [sflag:$0x4] =	stream.linear.gather [hbm4b:s9+s3], $0x1480, $0x38;
	[tilespmem:$0x1EC00] =	vst v63  }
0x1b: {  	_ =	swait.ge [sflag:s16], $0x1480  }
0x1c: {  	[sflag:s16] =	ssyncset.done $0x0  }
0x1d: {  	[sflag:s16] =	ssyncadd.s32 $0xFFFFEB80  }
0x1e: {  	[tilespmem:s19], [sflag:$0x4] =	stream.indirect.gather [hbm4b:s1+s18], $0x80, s15, s18, $0xb8;
	[tilespmem:$0x1EC00] =	vst v63  }
0x1f: {  	_ =	swait.ge [sflag:s16], $0x4000  }
0x20: {  	[sflag:s16] =	ssyncset.done $0x0  }
0x21: {  	[sflag:s16] =	ssyncadd.s32 $0xFFFFC000  }
0x22: {  	_ =	swait.ge [sflag:s20], $0x2780  }
0x23: {  	[sflag:s20] =	ssyncset.done $0x0  }
0x24: {  	[sflag:s20] =	ssyncadd.s32 $0xFFFFD880  }
0x25: {  	s25 =	simm.s32 $0x15400;
	[bflag:$0x0] =	sbarrier.arrive $0xFFFF  }
0x26: {  	[spmem:s2] =	stream.indirect.scatter.add.f32 [tilespmem:s19], [sflag:$0x1], $0x80, s25, s18, $0xb8;
	[tilespmem:$0x1EC00] =	vst v63  }
0x27: {  	s29 =	simm.s32 $0x13C80  }
0x28: {  	[tilespmem:s21], [sflag:$0x4] =	stream.indirect.gather [hbm4b:s1+s18], $0x80, s29, s18, $0xb8;
	[tilespmem:$0x1EC00] =	vst v63  }
0x29: {  	_ =	swait.ge [sflag:s16], $0x4000  }
0x2a: {  	[sflag:s16] =	ssyncset.done $0x0  }
0x2b: {  	s30 =	simm.s32 $0x15480;
	[sflag:s16] =	ssyncadd.s32 $0xFFFFC000  }
0x2c: {  	[spmem:s2] =	stream.indirect.scatter.add.f32 [tilespmem:s21], [sflag:$0x2], $0x80, s30, s18, $0xb8;
	[tilespmem:$0x1EC00] =	vst v63  }
0x2d: {  	_ =	swait.ge [sflag:s22], $0x4000  }
0x2e: {  	[sflag:s22] =	ssyncset.done $0x0  }
0x2f: {  	s31 =	simm.s32 $0x13D00;
	[sflag:s22] =	ssyncadd.s32 $0xFFFFC000  }
0x30: {  	[tilespmem:s19], [sflag:$0x4] =	stream.indirect.gather [hbm4b:s1+s18], $0x80, s31, s18, $0xb8;
	[tilespmem:$0x1EC00] =	vst v63  }
0x31: {  	_ =	swait.ge [sflag:s16], $0x4000  }
0x32: {  	[sflag:s16] =	ssyncset.done $0x0  }
0x33: {  	[sflag:s16] =	ssyncadd.s32 $0xFFFFC000  }
0x34: {  	_ =	swait.ge [sflag:s23], $0x4000  }
0x35: {  	s26 =	simm.s32 $0x800;
	s25 =	simm.s32 $0x100;
	[sflag:s23] =	ssyncset.done $0x0  }
.LBB2_2:
0x36: {  	s28 =	sadd.s32 $0x15400, s25  }
0x37: {  	[sflag:s23] =	ssyncadd.s32 $0xFFFFC000;
	s29 =	smov.u32 s26;
	s30 =	sadd.s32 $0x400, s26  }
0x38: {  	[spmem:s2] =	stream.indirect.scatter.add.f32 [tilespmem:s19], [sflag:$0x1], $0x80, s28, s18, $0xb8;
	[tilespmem:$0x1EC00] =	vst v63  }
0x39: {  	p0 =	sne.s32 s26, $0x4C00;
	s26 =	sadd.s32 $0x13C80, s25  }
0x3a: {  	[tilespmem:s21], [sflag:$0x4] =	stream.indirect.gather [hbm4b:s1+s18], $0x80, s26, s18, $0xb8;
	[tilespmem:$0x1EC00] =	vst v63  }
0x3b: {  	_ =	swait.ge [sflag:s16], $0x4000  }
0x3c: {  	[sflag:s16] =	ssyncset.done $0x0  }
0x3d: {  	s26 =	sadd.s32 $0x15480, s25;
	[sflag:s16] =	ssyncadd.s32 $0xFFFFC000  }
0x3e: {  	[spmem:s2] =	stream.indirect.scatter.add.f32 [tilespmem:s21], [sflag:$0x2], $0x80, s26, s18, $0xb8;
	[tilespmem:$0x1EC00] =	vst v63  }
0x3f: {  	_ =	swait.ge [sflag:s22], $0x4000  }
0x40: {  	[sflag:s22] =	ssyncset.done $0x0  }
0x41: {  	s25 =	sadd.s32 $0x13D00, s25;
	[sflag:s22] =	ssyncadd.s32 $0xFFFFC000  }
0x42: {  	[tilespmem:s19], [sflag:$0x4] =	stream.indirect.gather [hbm4b:s1+s18], $0x80, s25, s18, $0xb8;
	[tilespmem:$0x1EC00] =	vst v63  }
.Ltmp0:
0x43: {  	_ =	swait.ge [sflag:s16], $0x4000;
	(pc) =	sbr.rel @p0 .LBB2_2-.Ltmp0, $4  }
0x44: {  	[sflag:s16] =	ssyncset.done $0x0  }
0x45: {  	[sflag:s16] =	ssyncadd.s32 $0xFFFFC000  }
0x46: {  	_ =	swait.ge [sflag:s23], $0x4000  }
0x47: {  	s26 =	smov.u32 s30;
	s25 =	sshra.s32 s29, $0x2;
	[sflag:s23] =	ssyncset.done $0x0  }
0x48: {  	s26 =	sadd.s32 $0x15400, s25;
	[sflag:s23] =	ssyncadd.s32 $0xFFFFC000  }
0x49: {  	[spmem:s2] =	stream.indirect.scatter.add.f32 [tilespmem:s19], [sflag:$0x1], $0x80, s26, s18, $0xb8;
	[tilespmem:$0x1EC00] =	vst v63  }
0x4a: {  	s29 =	sadd.s32 $0x13C80, s25  }
0x4b: {  	[tilespmem:s21], [sflag:$0x4] =	stream.indirect.gather [hbm4b:s1+s18], $0x80, s29, s18, $0xb8;
	[tilespmem:$0x1EC00] =	vst v63  }
0x4c: {  	_ =	swait.ge [sflag:s16], $0x4000  }
0x4d: {  	[sflag:s16] =	ssyncset.done $0x0  }
0x4e: {  	s30 =	sadd.s32 $0x15480, s25;
	[sflag:s16] =	ssyncadd.s32 $0xFFFFC000  }
0x4f: {  	[spmem:s2] =	stream.indirect.scatter.add.f32 [tilespmem:s21], [sflag:$0x2], $0x80, s30, s18, $0xb8;
	[tilespmem:$0x1EC00] =	vst v63  }
0x50: {  	_ =	swait.ge [sflag:s22], $0x4000  }
0x51: {  	[sflag:s22] =	ssyncset.done $0x0  }
0x52: {  	s31 =	sadd.s32 $0x13D00, s25;
	[sflag:s22] =	ssyncadd.s32 $0xFFFFC000  }
0x53: {  	[tilespmem:s19], [sflag:$0x4] =	stream.indirect.gather [hbm4b:s1+s18], $0x80, s31, s18, $0xb8;
	[tilespmem:$0x1EC00] =	vst v63  }
0x54: {  	_ =	swait.ge [sflag:s16], $0x4000  }
0x55: {  	[sflag:s16] =	ssyncset.done $0x0  }
0x56: {  	[sflag:s16] =	ssyncadd.s32 $0xFFFFC000  }
0x57: {  	_ =	swait.ge [sflag:s23], $0x4000  }
0x58: {  	[sflag:s23] =	ssyncset.done $0x0  }
0x59: {  	s26 =	simm.s32 $0x0;
	[sflag:s23] =	ssyncadd.s32 $0xFFFFC000  }
0x5a: {  	[tilespmem:s15], [sflag:$0x4] =	stream.linear.gather [hbm4b:s10+s26], $0x1480, $0x38;
	[tilespmem:$0x1EC00] =	vst v63  }
0x5b: {  	_ =	swait.ge [sflag:s16], $0x1480  }
0x5c: {  	[sflag:s16] =	ssyncset.done $0x0  }
0x5d: {  	[sflag:s16] =	ssyncadd.s32 $0xFFFFEB80  }
0x5e: {  	[tilespmem:s17], [sflag:$0x4] =	stream.linear.gather [hbm4b:s11+s26], $0x1480, $0x38;
	[tilespmem:$0x1EC00] =	vst v63  }
0x5f: {  	_ =	swait.ge [sflag:s16], $0x1480  }
0x60: {  	[sflag:s16] =	ssyncset.done $0x0  }
0x61: {  	s28 =	simm.s32 $0x15400;
	[sflag:s16] =	ssyncadd.s32 $0xFFFFEB80  }
0x62: {  	[spmem:s2] =	stream.indirect.scatter.add.f32 [tilespmem:s19], [sflag:$0x1], $0x80, s28, s18, $0xb8;
	[tilespmem:$0x1EC00] =	vst v63  }
0x63: {  	s29 =	simm.s32 $0x13C80  }
0x64: {  	[tilespmem:s21], [sflag:$0x4] =	stream.indirect.gather [hbm4b:s1+s18], $0x80, s29, s18, $0xb8;
	[tilespmem:$0x1EC00] =	vst v63  }
0x65: {  	_ =	swait.ge [sflag:s16], $0x4000  }
0x66: {  	[sflag:s16] =	ssyncset.done $0x0  }
0x67: {  	s30 =	simm.s32 $0x15480;
	[sflag:s16] =	ssyncadd.s32 $0xFFFFC000  }
0x68: {  	[spmem:s2] =	stream.indirect.scatter.add.f32 [tilespmem:s21], [sflag:$0x2], $0x80, s30, s18, $0xb8;
	[tilespmem:$0x1EC00] =	vst v63  }
0x69: {  	_ =	swait.ge [sflag:s22], $0x4000  }
0x6a: {  	[sflag:s22] =	ssyncset.done $0x0  }
0x6b: {  	s31 =	simm.s32 $0x13D00;
	[sflag:s22] =	ssyncadd.s32 $0xFFFFC000  }
0x6c: {  	[tilespmem:s19], [sflag:$0x4] =	stream.indirect.gather [hbm4b:s1+s18], $0x80, s31, s18, $0xb8;
	[tilespmem:$0x1EC00] =	vst v63  }
0x6d: {  	_ =	swait.ge [sflag:s16], $0x4000  }
0x6e: {  	[sflag:s16] =	ssyncset.done $0x0  }
0x6f: {  	[sflag:s16] =	ssyncadd.s32 $0xFFFFC000  }
0x70: {  	_ =	swait.ge [sflag:s23], $0x4000  }
0x71: {  	s25 =	simm.s32 $0x100;
	s26 =	simm.s32 $0x800;
	[sflag:s23] =	ssyncset.done $0x0  }
.LBB2_4:
0x72: {  	s28 =	sadd.s32 $0x15400, s25  }
0x73: {  	[sflag:s23] =	ssyncadd.s32 $0xFFFFC000;
	s29 =	smov.u32 s26;
	s30 =	sadd.s32 $0x400, s26  }
0x74: {  	[spmem:s2] =	stream.indirect.scatter.add.f32 [tilespmem:s19], [sflag:$0x1], $0x80, s28, s18, $0xb8;
	[tilespmem:$0x1EC00] =	vst v63  }
0x75: {  	p0 =	sne.s32 s26, $0x4C00;
	s26 =	sadd.s32 $0x13C80, s25  }
0x76: {  	[tilespmem:s21], [sflag:$0x4] =	stream.indirect.gather [hbm4b:s1+s18], $0x80, s26, s18, $0xb8;
	[tilespmem:$0x1EC00] =	vst v63  }
0x77: {  	_ =	swait.ge [sflag:s16], $0x4000  }
0x78: {  	[sflag:s16] =	ssyncset.done $0x0  }
0x79: {  	s26 =	sadd.s32 $0x15480, s25;
	[sflag:s16] =	ssyncadd.s32 $0xFFFFC000  }
0x7a: {  	[spmem:s2] =	stream.indirect.scatter.add.f32 [tilespmem:s21], [sflag:$0x2], $0x80, s26, s18, $0xb8;
	[tilespmem:$0x1EC00] =	vst v63  }
0x7b: {  	_ =	swait.ge [sflag:s22], $0x4000  }
0x7c: {  	[sflag:s22] =	ssyncset.done $0x0  }
0x7d: {  	s25 =	sadd.s32 $0x13D00, s25;
	[sflag:s22] =	ssyncadd.s32 $0xFFFFC000  }
0x7e: {  	[tilespmem:s19], [sflag:$0x4] =	stream.indirect.gather [hbm4b:s1+s18], $0x80, s25, s18, $0xb8;
	[tilespmem:$0x1EC00] =	vst v63  }
.Ltmp1:
0x7f: {  	_ =	swait.ge [sflag:s16], $0x4000;
	(pc) =	sbr.rel @p0 .LBB2_4-.Ltmp1, $4  }
0x80: {  	[sflag:s16] =	ssyncset.done $0x0  }
0x81: {  	[sflag:s16] =	ssyncadd.s32 $0xFFFFC000  }
0x82: {  	_ =	swait.ge [sflag:s23], $0x4000  }
0x83: {  	s26 =	smov.u32 s30;
	s25 =	sshra.s32 s29, $0x2;
	[sflag:s23] =	ssyncset.done $0x0  }
0x84: {  	s26 =	sadd.s32 $0x15400, s25;
	[sflag:s23] =	ssyncadd.s32 $0xFFFFC000  }
0x85: {  	[spmem:s2] =	stream.indirect.scatter.add.f32 [tilespmem:s19], [sflag:$0x1], $0x80, s26, s18, $0xb8;
	[tilespmem:$0x1EC00] =	vst v63  }
0x86: {  	s28 =	sadd.s32 $0x13C80, s25  }
0x87: {  	[tilespmem:s21], [sflag:$0x4] =	stream.indirect.gather [hbm4b:s1+s18], $0x80, s28, s18, $0xb8;
	[tilespmem:$0x1EC00] =	vst v63  }
0x88: {  	_ =	swait.ge [sflag:s16], $0x4000  }
0x89: {  	[sflag:s16] =	ssyncset.done $0x0  }
0x8a: {  	s29 =	sadd.s32 $0x15480, s25;
	[sflag:s16] =	ssyncadd.s32 $0xFFFFC000  }
0x8b: {  	[spmem:s2] =	stream.indirect.scatter.add.f32 [tilespmem:s21], [sflag:$0x2], $0x80, s29, s18, $0xb8;
	[tilespmem:$0x1EC00] =	vst v63  }
0x8c: {  	_ =	swait.ge [sflag:s22], $0x4000  }
0x8d: {  	[sflag:s22] =	ssyncset.done $0x0  }
0x8e: {  	s30 =	sadd.s32 $0x13D00, s25;
	[sflag:s22] =	ssyncadd.s32 $0xFFFFC000  }
0x8f: {  	[tilespmem:s19], [sflag:$0x4] =	stream.indirect.gather [hbm4b:s1+s18], $0x80, s30, s18, $0xb8;
	[tilespmem:$0x1EC00] =	vst v63  }
0x90: {  	_ =	swait.ge [sflag:s16], $0x4000  }
0x91: {  	[sflag:s16] =	ssyncset.done $0x0  }
0x92: {  	[sflag:s16] =	ssyncadd.s32 $0xFFFFC000  }
0x93: {  	_ =	swait.ge [sflag:s23], $0x4000  }
0x94: {  	s24 =	sadd.s32 $0x1, s24;
	[sflag:s23] =	ssyncset.done $0x0  }
0x95: {  	p0 =	sne.s32 s24, s13;
	[sflag:s23] =	ssyncadd.s32 $0xFFFFC000  }
.Ltmp2:
0x96: {  	s31 =	sor.u32 $0x1C04, s6;
	[bflag:$0x0] =	sbarrier.arrive $0xFFFF;
	(pc) =	sbr.rel @p0 .LBB2_1-.Ltmp2, $4  }
0x97: {  	[hbm:s12], [sflag:s31] =	dma.local [spmem:s14], $0x2780  }
0x98: {  	_ =	swait.ge [sflag:s16], $0x2780  }
0x99: {  	[sflag:s16] =	ssyncset.done $0x0  }
0x9a: {  	[sflag:s16] =	ssyncadd.s32 $0xFFFFD880  }
0x9b: {  	_ =	sfence.sel $0x180000  }
0x9c: {  	[bflag:$0x0] =	sbarrier.arrive $0xFFFF  }
0x9d: {  	p0 =	sne.s32 s4, $0x0;
	_ =	strace $0x90000047  }
0x9e: {  	s0 =	sadd.s32 @!p0 $0x100000, s0;
	[bflag:$0x2] =	sbarrier.arrive $0xFFFF  }
0x9f: {  	[sflag:s0] =	ssyncadd.tile.s32 @!p0 $0x1;
	_ =	shalt  }
.Lfunc_end2:
_tile_overlayer_lowered:
.L_overlay_start_2:
0xa0: {  	(tag) =	ssettag $0x2  }
0xa1: {  	s0 =	rddreg [dreg:$0x0];
	s2 =	stileid.u32  }
0xa2: {  	s1 =	rddreg [dreg:$0x1];
	p0 =	sne.s32 s2, $0x0  }
0xa3: {  	s3 =	rddreg [dreg:$0x2];
	[bflag:$0x3] =	sbarrier.arrive $0xFFFF;
	s2 =	simm.s32 @!p0 $0x1C04  }
0xa4: {  	[timem:s3], [sflag:s2] =	dma.local @!p0 [hbm:s0], s1  }
0xa5: {  	s0 =	simm.s32 @!p0 $0x4  }
0xa6: {  	_ =	swait.ge @!p0 [sflag:s0], s1  }
0xa7: {  	s1 =	ssub.s32 @!p0 $0x0, s1;
	[sflag:s0] =	ssyncset.done @!p0 $0x0  }
0xa8: {  	[sflag:s0] =	ssyncadd.s32 @!p0 s1  }
0xa9: {  	[bflag:$0x3] =	sbarrier.arrive $0xFFFF  }
0xaa: {  	_ =	shalt  }

</sc_bundles>
